<compile_context>
chip_gen: v7x
topology: tpu7x:2x2x1
jax: 0.10.2.dev20260603
libtpu: 0.0.44.dev20260713+nightly
codegen_flags: <defaults>
</compile_context>

<pallas_src>
import jax
import jax.numpy as jnp
from jax import lax
from jax.experimental import pallas as pl
from jax.experimental.pallas import tpu as pltpu
from jax.experimental.pallas import tpu_sc as plsc

N_NODES = 10000
N_EDGES = 320000
D = 128

NC = 2
NS = 16
NW = NC * NS
E_PER_W = N_EDGES // NW
CHUNK = 80
N_CHUNKS = E_PER_W // CHUNK
N_PAD = 10240
ZSLAB = N_PAD // NS
OSLAB = 624


def _sc_aggregate(x, src_r, dst_r, zs):
    mesh = plsc.VectorSubcoreMesh(core_axis_name="c", subcore_axis_name="s")

    def body(x_hbm, src_hbm, dst_hbm, zs_hbm, out_hbm, idx_s, idx_d,
             rows_a, rows_b, acc, sem_a, sem_b):
        cid = lax.axis_index("c")
        sid = lax.axis_index("s")
        wid = sid * NC + cid

        o_off = pl.multiple_of(sid * OSLAB, 8)

        @pl.when(cid == 0)
        def _():
            @pl.when(sid < NS - 1)
            def _():
                sl = pl.ds(o_off, OSLAB)
                pltpu.sync_copy(x_hbm.at[sl], acc.at[sl])

            @pl.when(sid == NS - 1)
            def _():
                sl = pl.ds((NS - 1) * OSLAB, N_NODES - (NS - 1) * OSLAB)
                pltpu.sync_copy(x_hbm.at[sl], acc.at[sl])

        @pl.when(cid == 1)
        def _():
            z_off = pl.multiple_of(sid * ZSLAB, 8)
            pltpu.sync_copy(zs_hbm, acc.at[pl.ds(z_off, ZSLAB)])

        pltpu.sync_copy(src_hbm.at[wid], idx_s)
        pltpu.sync_copy(dst_hbm.at[wid], idx_d)
        plsc.subcore_barrier()

        def gather(j, buf, sem):
            off = pl.multiple_of(j * CHUNK, 8)
            pltpu.async_copy(x_hbm.at[idx_s.at[pl.ds(off, CHUNK)]], buf, sem)

        def wait(buf, sem):
            pltpu.make_async_copy(x_hbm.at[idx_s.at[pl.ds(0, CHUNK)]], buf, sem).wait()

        def scat(j, buf):
            pass

        gather(0, rows_a, sem_a)

        def chunk_body(i, carry):
            j = 2 * i + 1
            gather(j, rows_b, sem_b)
            wait(rows_a, sem_a)
            scat(j - 1, rows_a)
            gather(j + 1, rows_a, sem_a)
            wait(rows_b, sem_b)
            scat(j, rows_b)
            return carry

        lax.fori_loop(0, (N_CHUNKS - 1) // 2, chunk_body, 0)
        wait(rows_a, sem_a)
        scat(N_CHUNKS - 1, rows_a)
        plsc.subcore_barrier()

        @pl.when(sid < NS - 1)
        def _():
            sl = pl.ds(o_off, OSLAB)
            pltpu.sync_copy(acc.at[sl], out_hbm.at[cid, sl])

        @pl.when(sid == NS - 1)
        def _():
            sl = pl.ds((NS - 1) * OSLAB, N_NODES - (NS - 1) * OSLAB)
            pltpu.sync_copy(acc.at[sl], out_hbm.at[cid, sl])

    kfn = pl.kernel(
        body,
        out_type=jax.ShapeDtypeStruct((NC, N_NODES, D), jnp.float32),
        mesh=mesh,
        scratch_types=[
            pltpu.VMEM((E_PER_W,), jnp.int32),
            pltpu.VMEM((N_CHUNKS, CHUNK), jnp.int32),
            pltpu.VMEM((CHUNK, D), jnp.float32),
            pltpu.VMEM((CHUNK, D), jnp.float32),
            pltpu.VMEM_SHARED((N_PAD, D), jnp.float32),
            pltpu.SemaphoreType.DMA,
            pltpu.SemaphoreType.DMA,
        ],
    )
    return kfn(x, src_r, dst_r, zs)


def _tc_body(a0_ref, a1_ref, w1_ref, b1_ref, w2_ref, b2_ref, o_ref):
    h = a0_ref[0] + a1_ref[0]
    h = jnp.dot(h, w1_ref[...], preferred_element_type=jnp.float32) + b1_ref[...]
    h = jnp.maximum(h, 0.0)
    h = jnp.dot(h, w2_ref[...], preferred_element_type=jnp.float32) + b2_ref[...]
    h = jnp.maximum(h, 0.0)
    norm = jnp.sqrt(jnp.sum(h * h, axis=1, keepdims=True))
    o_ref[...] = h / jnp.maximum(norm, 1e-12)


def _tc_mlp(aggr2, W1, b1, W2, b2):
    blk = 2000
    grid = N_NODES // blk
    return pl.pallas_call(
        _tc_body,
        grid=(grid,),
        in_specs=[
            pl.BlockSpec((1, blk, D), lambda j: (0, j, 0)),
            pl.BlockSpec((1, blk, D), lambda j: (1, j, 0)),
            pl.BlockSpec((D, D), lambda j: (0, 0)),
            pl.BlockSpec((1, D), lambda j: (0, 0)),
            pl.BlockSpec((D, D), lambda j: (0, 0)),
            pl.BlockSpec((1, D), lambda j: (0, 0)),
        ],
        out_specs=pl.BlockSpec((blk, D), lambda j: (j, 0)),
        out_shape=jax.ShapeDtypeStruct((N_NODES, D), jnp.float32),
    )(aggr2, aggr2, W1, b1.reshape(1, D), W2, b2.reshape(1, D))


@jax.jit
def kernel(ins, edge_index, W1, b1, W2, b2):
    src_r = edge_index[0].reshape(NW, E_PER_W)
    dst_r = edge_index[1].reshape(NW, N_CHUNKS, CHUNK)
    zs = jnp.zeros((ZSLAB, D), jnp.float32)
    aggr2 = _sc_aggregate(ins, src_r, dst_r, zs)
    return _tc_mlp(aggr2, W1, b1, W2, b2)

# --- scband reference (transcript-rebuilt; emitter-appended) ---
"""Pipeline reference for scband-node-embedding-62766652064051 (READ-ONLY COPY).

The authoritative reference and input builder live on the scoring server;
editing this copy changes nothing except your own understanding.
"""

import jax, jax.numpy as jnp
import numpy as np

N_NODES = 10000
N_EDGES = 320000
D_IN = 128
D_OUT = 128


def setup_inputs(seed: int = 0) -> dict:
    key = jax.random.key(seed)
    k1, k2, k3, k4 = jax.random.split(key, 4)
    x = jax.random.normal(k1, (N_NODES, D_IN), dtype=jnp.float32)
    edge_index = jax.random.randint(k2, (2, N_EDGES), 0, N_NODES, dtype=jnp.int32)
    # GIN MLP params: Linear(in_dim, out_dim) -> ReLU -> Linear(out_dim, out_dim)
    lim1 = 1.0 / np.sqrt(D_IN)
    lim2 = 1.0 / np.sqrt(D_OUT)
    W1 = jax.random.uniform(k3, (D_IN, D_OUT), minval=-lim1, maxval=lim1, dtype=jnp.float32)
    b1 = jnp.zeros((D_OUT,), dtype=jnp.float32)
    W2 = jax.random.uniform(k4, (D_OUT, D_OUT), minval=-lim2, maxval=lim2, dtype=jnp.float32)
    b2 = jnp.zeros((D_OUT,), dtype=jnp.float32)
    return {"ins": x, "edge_index": edge_index, "W1": W1, "b1": b1, "W2": W2, "b2": b2}


def reference(ins, edge_index, W1, b1, W2, b2):
    # NodeEmbedding(type='gin', bn=False, normalize=True, act='relu')
    x = ins
    src = edge_index[0]
    dst = edge_index[1]
    # GINConv aggregation: sum of neighbor messages at destination nodes
    msgs = jnp.take(x, src, axis=0)                     # gather  [E, D_IN]
    aggr = jax.ops.segment_sum(msgs, dst, num_segments=N_NODES)  # scatter-add [N, D_IN]
    # (1 + eps) * x + aggr, eps = 0 (GINConv default)
    h = x + aggr
    # MLP: Linear -> ReLU -> Linear
    h = h @ W1 + b1
    h = jax.nn.relu(h)
    h = h @ W2 + b2
    # self.act after conv
    h = jax.nn.relu(h)
    # F.normalize(x, p=2, dim=1) with eps=1e-12
    norm = jnp.linalg.norm(h, axis=1, keepdims=True)
    h = h / jnp.maximum(norm, 1e-12)
    return h

if __name__ == "__main__":
    import jax
    _d = setup_inputs()
    print(jax.jit(kernel)(*tuple(_d.values())))

</pallas_src>

<mosaic_0001>
#map = affine_map<(d0, d1) -> (0, 0)>
#map1 = affine_map<(d0, d1) -> (0, 0, 0)>
module attributes {stable_mosaic.version = 14 : i64} {
  func.func @body(%arg0: i32, %arg1: i32, %arg2: memref<10000x128xf32, #tpu.memory_space<hbm>>, %arg3: memref<32x10000xi32, #tpu.memory_space<hbm>>, %arg4: memref<32x125x80xi32, #tpu.memory_space<hbm>>, %arg5: memref<640x128xf32, #tpu.memory_space<hbm>>, %arg6: memref<2x10000x128xf32, #tpu.memory_space<hbm>>, %arg7: memref<10000xi32, #tpu.memory_space<vmem>>, %arg8: memref<125x80xi32, #tpu.memory_space<vmem>>, %arg9: memref<80x128xf32, #tpu.memory_space<vmem>>, %arg10: memref<80x128xf32, #tpu.memory_space<vmem>>, %arg11: memref<10240x128xf32, #tpu.memory_space<vmem_shared>>, %arg12: memref<!tpu.dma_semaphore, #tpu.memory_space<semaphore_mem>>, %arg13: memref<!tpu.dma_semaphore, #tpu.memory_space<semaphore_mem>>) attributes {dimension_semantics = [#tpu.dimension_semantics<core_parallel>, #tpu.dimension_semantics<subcore_parallel>], iteration_bounds = array<i64: 2, 16>, scalar_prefetch = 0 : i64, scratch_operands = 7 : i64, tpu.core_type = #tpu.core_type<sc_vector_subcore>, window_params = [{transform_indices = #map}, {transform_indices = #map}, {transform_indices = #map1}, {transform_indices = #map}, {transform_indices = #map1}]} {
    %mul3A = arith.constant 2 : i32
    %mul3A_0 = arith.muli %arg1, %mul3A : i32
    %add3A = arith.addi %mul3A_0, %arg0 : i32
    %mul3A_1 = arith.constant 624 : i32
    %mul3A_2 = arith.muli %arg1, %mul3A_1 : i32
    %multiple_of3A = tpu.assume_multiple %mul3A_2, 8 : i32
    %eq3A = arith.constant 0 : i32
    %eq3A_3 = arith.cmpi eq, %arg0, %eq3A : i32
    %convert_element_type3A = arith.extui %eq3A_3 : i1 to i32
    %cond3A = arith.constant 0 : i32
    %cond3A_4 = arith.cmpi ne, %convert_element_type3A, %cond3A : i32
    scf.if %cond3A_4 {
      %lt3A_34 = arith.constant 15 : i32
      %lt3A_35 = arith.cmpi slt, %arg1, %lt3A_34 : i32
      %convert_element_type3A_36 = arith.extui %lt3A_35 : i1 to i32
      %cond3A_37 = arith.constant 0 : i32
      %cond3A_38 = arith.cmpi ne, %convert_element_type3A_36, %cond3A_37 : i32
      scf.if %cond3A_38 {
        "tpu.region"() ({
          %run_scoped3A = tpu.sem_alloc : memref<!tpu.dma_semaphore, #tpu.memory_space<semaphore_mem>>
          %dma_start3A_44 = arith.constant 0 : i32
          %dma_start3A_45 = tpu.memref_slice %arg11[%multiple_of3A, %dma_start3A_44] : memref<10240x128xf32, #tpu.memory_space<vmem_shared>> -> memref<624x128xf32, #tpu.memory_space<vmem_shared>>
          %dma_start3A_46 = arith.constant 0 : i32
          %dma_start3A_47 = tpu.memref_slice %arg2[%multiple_of3A, %dma_start3A_46] : memref<10000x128xf32, #tpu.memory_space<hbm>> -> memref<624x128xf32, #tpu.memory_space<hbm>>
          tpu.enqueue_dma source(%dma_start3A_47 : memref<624x128xf32, #tpu.memory_space<hbm>>) target(%dma_start3A_45 : memref<624x128xf32, #tpu.memory_space<vmem_shared>>) target_semaphore(%run_scoped3A : memref<!tpu.dma_semaphore, #tpu.memory_space<semaphore_mem>>)
          %dma_wait3A_48 = arith.constant 0 : i32
          %dma_wait3A_49 = tpu.memref_slice %arg11[%multiple_of3A, %dma_wait3A_48] : memref<10240x128xf32, #tpu.memory_space<vmem_shared>> -> memref<624x128xf32, #tpu.memory_space<vmem_shared>>
          %dma_wait3A_50 = arith.constant 0 : i32
          %dma_wait3A_51 = tpu.memref_slice %arg2[%multiple_of3A, %dma_wait3A_50] : memref<10000x128xf32, #tpu.memory_space<hbm>> -> memref<624x128xf32, #tpu.memory_space<hbm>>
          tpu.wait_dma2 semaphore(%run_scoped3A : memref<!tpu.dma_semaphore, #tpu.memory_space<semaphore_mem>>) src(%dma_wait3A_51 : memref<624x128xf32, #tpu.memory_space<hbm>>) dst(%dma_wait3A_49 : memref<624x128xf32, #tpu.memory_space<vmem_shared>>)
          tpu.yield
        }) : () -> ()
      } else {
      }
      %eq3A_39 = arith.constant 15 : i32
      %eq3A_40 = arith.cmpi eq, %arg1, %eq3A_39 : i32
      %convert_element_type3A_41 = arith.extui %eq3A_40 : i1 to i32
      %cond3A_42 = arith.constant 0 : i32
      %cond3A_43 = arith.cmpi ne, %convert_element_type3A_41, %cond3A_42 : i32
      scf.if %cond3A_43 {
        "tpu.region"() ({
          %run_scoped3A = tpu.sem_alloc : memref<!tpu.dma_semaphore, #tpu.memory_space<semaphore_mem>>
          %dma_start3A_44 = arith.constant 9360 : i32
          %dma_start3A_45 = arith.constant 0 : i32
          %dma_start3A_46 = tpu.memref_slice %arg11[%dma_start3A_44, %dma_start3A_45] : memref<10240x128xf32, #tpu.memory_space<vmem_shared>> -> memref<640x128xf32, #tpu.memory_space<vmem_shared>>
          %dma_start3A_47 = arith.constant 9360 : i32
          %dma_start3A_48 = arith.constant 0 : i32
          %dma_start3A_49 = tpu.memref_slice %arg2[%dma_start3A_47, %dma_start3A_48] : memref<10000x128xf32, #tpu.memory_space<hbm>> -> memref<640x128xf32, #tpu.memory_space<hbm>>
          tpu.enqueue_dma source(%dma_start3A_49 : memref<640x128xf32, #tpu.memory_space<hbm>>) target(%dma_start3A_46 : memref<640x128xf32, #tpu.memory_space<vmem_shared>>) target_semaphore(%run_scoped3A : memref<!tpu.dma_semaphore, #tpu.memory_space<semaphore_mem>>)
          %dma_wait3A_50 = arith.constant 9360 : i32
          %dma_wait3A_51 = arith.constant 0 : i32
          %dma_wait3A_52 = tpu.memref_slice %arg11[%dma_wait3A_50, %dma_wait3A_51] : memref<10240x128xf32, #tpu.memory_space<vmem_shared>> -> memref<640x128xf32, #tpu.memory_space<vmem_shared>>
          %dma_wait3A_53 = arith.constant 9360 : i32
          %dma_wait3A_54 = arith.constant 0 : i32
          %dma_wait3A_55 = tpu.memref_slice %arg2[%dma_wait3A_53, %dma_wait3A_54] : memref<10000x128xf32, #tpu.memory_space<hbm>> -> memref<640x128xf32, #tpu.memory_space<hbm>>
          tpu.wait_dma2 semaphore(%run_scoped3A : memref<!tpu.dma_semaphore, #tpu.memory_space<semaphore_mem>>) src(%dma_wait3A_55 : memref<640x128xf32, #tpu.memory_space<hbm>>) dst(%dma_wait3A_52 : memref<640x128xf32, #tpu.memory_space<vmem_shared>>)
          tpu.yield
        }) : () -> ()
      } else {
      }
    } else {
    }
    %eq3A_5 = arith.constant 1 : i32
    %eq3A_6 = arith.cmpi eq, %arg0, %eq3A_5 : i32
    %convert_element_type3A_7 = arith.extui %eq3A_6 : i1 to i32
    %cond3A_8 = arith.constant 0 : i32
    %cond3A_9 = arith.cmpi ne, %convert_element_type3A_7, %cond3A_8 : i32
    scf.if %cond3A_9 {
      %mul3A_34 = arith.constant 640 : i32
      %mul3A_35 = arith.muli %arg1, %mul3A_34 : i32
      %multiple_of3A_36 = tpu.assume_multiple %mul3A_35, 8 : i32
      "tpu.region"() ({
        %run_scoped3A = tpu.sem_alloc : memref<!tpu.dma_semaphore, #tpu.memory_space<semaphore_mem>>
        %dma_start3A_37 = arith.constant 0 : i32
        %dma_start3A_38 = tpu.memref_slice %arg11[%multiple_of3A_36, %dma_start3A_37] : memref<10240x128xf32, #tpu.memory_space<vmem_shared>> -> memref<640x128xf32, #tpu.memory_space<vmem_shared>>
        tpu.enqueue_dma source(%arg5 : memref<640x128xf32, #tpu.memory_space<hbm>>) target(%dma_start3A_38 : memref<640x128xf32, #tpu.memory_space<vmem_shared>>) target_semaphore(%run_scoped3A : memref<!tpu.dma_semaphore, #tpu.memory_space<semaphore_mem>>)
        %dma_wait3A_39 = arith.constant 0 : i32
        %dma_wait3A_40 = tpu.memref_slice %arg11[%multiple_of3A_36, %dma_wait3A_39] : memref<10240x128xf32, #tpu.memory_space<vmem_shared>> -> memref<640x128xf32, #tpu.memory_space<vmem_shared>>
        tpu.wait_dma2 semaphore(%run_scoped3A : memref<!tpu.dma_semaphore, #tpu.memory_space<semaphore_mem>>) src(%arg5 : memref<640x128xf32, #tpu.memory_space<hbm>>) dst(%dma_wait3A_40 : memref<640x128xf32, #tpu.memory_space<vmem_shared>>)
        tpu.yield
      }) : () -> ()
    } else {
    }
    "tpu.region"() ({
      %run_scoped3A = tpu.sem_alloc : memref<!tpu.dma_semaphore, #tpu.memory_space<semaphore_mem>>
      %dma_start3A_34 = arith.constant 0 : i32
      %dma_start3A_35 = tpu.memref_slice %arg3[%add3A, %dma_start3A_34] : memref<32x10000xi32, #tpu.memory_space<hbm>> -> memref<1x10000xi32, #tpu.memory_space<hbm>>
      %dma_start3A_36 = tpu.memref_squeeze %dma_start3A_35 : memref<1x10000xi32, #tpu.memory_space<hbm>> -> memref<10000xi32, #tpu.memory_space<hbm>>
      %dma_start3A_37 = arith.constant 0 : i32
      %dma_start3A_38 = tpu.memref_slice %arg3[%add3A, %dma_start3A_37] : memref<32x10000xi32, #tpu.memory_space<hbm>> -> memref<1x10000xi32, #tpu.memory_space<hbm>>
      %dma_start3A_39 = tpu.memref_squeeze %dma_start3A_38 : memref<1x10000xi32, #tpu.memory_space<hbm>> -> memref<10000xi32, #tpu.memory_space<hbm>>
      tpu.enqueue_dma source(%dma_start3A_39 : memref<10000xi32, #tpu.memory_space<hbm>>) target(%arg7 : memref<10000xi32, #tpu.memory_space<vmem>>) target_semaphore(%run_scoped3A : memref<!tpu.dma_semaphore, #tpu.memory_space<semaphore_mem>>)
      %dma_wait3A_40 = arith.constant 0 : i32
      %dma_wait3A_41 = tpu.memref_slice %arg3[%add3A, %dma_wait3A_40] : memref<32x10000xi32, #tpu.memory_space<hbm>> -> memref<1x10000xi32, #tpu.memory_space<hbm>>
      %dma_wait3A_42 = tpu.memref_squeeze %dma_wait3A_41 : memref<1x10000xi32, #tpu.memory_space<hbm>> -> memref<10000xi32, #tpu.memory_space<hbm>>
      %dma_wait3A_43 = arith.constant 0 : i32
      %dma_wait3A_44 = tpu.memref_slice %arg3[%add3A, %dma_wait3A_43] : memref<32x10000xi32, #tpu.memory_space<hbm>> -> memref<1x10000xi32, #tpu.memory_space<hbm>>
      %dma_wait3A_45 = tpu.memref_squeeze %dma_wait3A_44 : memref<1x10000xi32, #tpu.memory_space<hbm>> -> memref<10000xi32, #tpu.memory_space<hbm>>
      tpu.wait_dma2 semaphore(%run_scoped3A : memref<!tpu.dma_semaphore, #tpu.memory_space<semaphore_mem>>) src(%dma_wait3A_45 : memref<10000xi32, #tpu.memory_space<hbm>>) dst(%arg7 : memref<10000xi32, #tpu.memory_space<vmem>>)
      tpu.yield
    }) : () -> ()
    "tpu.region"() ({
      %run_scoped3A = tpu.sem_alloc : memref<!tpu.dma_semaphore, #tpu.memory_space<semaphore_mem>>
      %dma_start3A_34 = arith.constant 0 : i32
      %dma_start3A_35 = arith.constant 0 : i32
      %dma_start3A_36 = tpu.memref_slice %arg4[%add3A, %dma_start3A_34, %dma_start3A_35] : memref<32x125x80xi32, #tpu.memory_space<hbm>> -> memref<1x125x80xi32, #tpu.memory_space<hbm>>
      %dma_start3A_37 = tpu.memref_squeeze %dma_start3A_36 : memref<1x125x80xi32, #tpu.memory_space<hbm>> -> memref<125x80xi32, #tpu.memory_space<hbm>>
      %dma_start3A_38 = arith.constant 0 : i32
      %dma_start3A_39 = arith.constant 0 : i32
      %dma_start3A_40 = tpu.memref_slice %arg4[%add3A, %dma_start3A_38, %dma_start3A_39] : memref<32x125x80xi32, #tpu.memory_space<hbm>> -> memref<1x125x80xi32, #tpu.memory_space<hbm>>
      %dma_start3A_41 = tpu.memref_squeeze %dma_start3A_40 : memref<1x125x80xi32, #tpu.memory_space<hbm>> -> memref<125x80xi32, #tpu.memory_space<hbm>>
      tpu.enqueue_dma source(%dma_start3A_41 : memref<125x80xi32, #tpu.memory_space<hbm>>) target(%arg8 : memref<125x80xi32, #tpu.memory_space<vmem>>) target_semaphore(%run_scoped3A : memref<!tpu.dma_semaphore, #tpu.memory_space<semaphore_mem>>)
      %dma_wait3A_42 = arith.constant 0 : i32
      %dma_wait3A_43 = arith.constant 0 : i32
      %dma_wait3A_44 = tpu.memref_slice %arg4[%add3A, %dma_wait3A_42, %dma_wait3A_43] : memref<32x125x80xi32, #tpu.memory_space<hbm>> -> memref<1x125x80xi32, #tpu.memory_space<hbm>>
      %dma_wait3A_45 = tpu.memref_squeeze %dma_wait3A_44 : memref<1x125x80xi32, #tpu.memory_space<hbm>> -> memref<125x80xi32, #tpu.memory_space<hbm>>
      %dma_wait3A_46 = arith.constant 0 : i32
      %dma_wait3A_47 = arith.constant 0 : i32
      %dma_wait3A_48 = tpu.memref_slice %arg4[%add3A, %dma_wait3A_46, %dma_wait3A_47] : memref<32x125x80xi32, #tpu.memory_space<hbm>> -> memref<1x125x80xi32, #tpu.memory_space<hbm>>
      %dma_wait3A_49 = tpu.memref_squeeze %dma_wait3A_48 : memref<1x125x80xi32, #tpu.memory_space<hbm>> -> memref<125x80xi32, #tpu.memory_space<hbm>>
      tpu.wait_dma2 semaphore(%run_scoped3A : memref<!tpu.dma_semaphore, #tpu.memory_space<semaphore_mem>>) src(%dma_wait3A_49 : memref<125x80xi32, #tpu.memory_space<hbm>>) dst(%arg8 : memref<125x80xi32, #tpu.memory_space<vmem>>)
      tpu.yield
    }) : () -> ()
    %barrier3A = arith.constant 0 : index
    tpu.barrier barrier_id(%barrier3A)
    %multiple_of3A_10 = arith.constant 0 : i32
    %multiple_of3A_11 = tpu.assume_multiple %multiple_of3A_10, 8 : i32
    %dma_start3A = tpu.memref_slice %arg7[%multiple_of3A_11] : memref<10000xi32, #tpu.memory_space<vmem>> -> memref<80xi32, #tpu.memory_space<vmem>>
    %dma_start3A_12 = arith.constant 0 : i32
    %dma_start3A_13 = arith.constant 0 : i32
    %dma_start3A_14 = tpu.memref_slice %arg2[%dma_start3A_12, %dma_start3A_13] : memref<10000x128xf32, #tpu.memory_space<hbm>> -> memref<10000x128xf32, #tpu.memory_space<hbm>>
    tpu.enqueue_indirect_dma source(%dma_start3A_14 : memref<10000x128xf32, #tpu.memory_space<hbm>>) target(%arg9 : memref<80x128xf32, #tpu.memory_space<vmem>>) offsets(%dma_start3A : memref<80xi32, #tpu.memory_space<vmem>>) semaphore(%arg12 : memref<!tpu.dma_semaphore, #tpu.memory_space<semaphore_mem>>)
    %scan3A = arith.constant 0 : i32
    %scan3A_15 = arith.constant 0 : i32
    %scan3A_16 = arith.constant 62 : i32
    %scan3A_17 = arith.addi %scan3A_15, %scan3A_16 : i32
    %scan3A_18 = arith.constant 1 : i32
    scf.for %scan3A_34 = %scan3A_15 to %scan3A_17 step %scan3A_18  : i32 {
      %mul3A_35 = arith.constant 2 : i32
      %mul3A_36 = arith.muli %mul3A_35, %scan3A_34 : i32
      %add3A_37 = arith.constant 1 : i32
      %add3A_38 = arith.addi %mul3A_36, %add3A_37 : i32
      %mul3A_39 = arith.constant 80 : i32
      %mul3A_40 = arith.muli %add3A_38, %mul3A_39 : i32
      %multiple_of3A_41 = tpu.assume_multiple %mul3A_40, 8 : i32
      %dma_start3A_42 = tpu.memref_slice %arg7[%multiple_of3A_41] : memref<10000xi32, #tpu.memory_space<vmem>> -> memref<80xi32, #tpu.memory_space<vmem>>
      %dma_start3A_43 = arith.constant 0 : i32
      %dma_start3A_44 = arith.constant 0 : i32
      %dma_start3A_45 = tpu.memref_slice %arg2[%dma_start3A_43, %dma_start3A_44] : memref<10000x128xf32, #tpu.memory_space<hbm>> -> memref<10000x128xf32, #tpu.memory_space<hbm>>
      tpu.enqueue_indirect_dma source(%dma_start3A_45 : memref<10000x128xf32, #tpu.memory_space<hbm>>) target(%arg10 : memref<80x128xf32, #tpu.memory_space<vmem>>) offsets(%dma_start3A_42 : memref<80xi32, #tpu.memory_space<vmem>>) semaphore(%arg13 : memref<!tpu.dma_semaphore, #tpu.memory_space<semaphore_mem>>)
      %dma_wait3A_46 = arith.constant 0 : i32
      %dma_wait3A_47 = tpu.memref_slice %arg7[%dma_wait3A_46] : memref<10000xi32, #tpu.memory_space<vmem>> -> memref<80xi32, #tpu.memory_space<vmem>>
      %dma_wait3A_48 = arith.constant 0 : i32
      %dma_wait3A_49 = arith.constant 0 : i32
      %dma_wait3A_50 = tpu.memref_slice %arg2[%dma_wait3A_48, %dma_wait3A_49] : memref<10000x128xf32, #tpu.memory_space<hbm>> -> memref<10000x128xf32, #tpu.memory_space<hbm>>
      tpu.wait_indirect_dma semaphore(%arg12 : memref<!tpu.dma_semaphore, #tpu.memory_space<semaphore_mem>>) src(%dma_wait3A_50 : memref<10000x128xf32, #tpu.memory_space<hbm>>) dst(%arg9 : memref<80x128xf32, #tpu.memory_space<vmem>>)
      %sub3A = arith.constant 1 : i32
      %sub3A_51 = arith.subi %add3A_38, %sub3A : i32
      %add3A_52 = arith.constant 1 : i32
      %add3A_53 = arith.addi %add3A_38, %add3A_52 : i32
      %mul3A_54 = arith.constant 80 : i32
      %mul3A_55 = arith.muli %add3A_53, %mul3A_54 : i32
      %multiple_of3A_56 = tpu.assume_multiple %mul3A_55, 8 : i32
      %dma_start3A_57 = tpu.memref_slice %arg7[%multiple_of3A_56] : memref<10000xi32, #tpu.memory_space<vmem>> -> memref<80xi32, #tpu.memory_space<vmem>>
      %dma_start3A_58 = arith.constant 0 : i32
      %dma_start3A_59 = arith.constant 0 : i32
      %dma_start3A_60 = tpu.memref_slice %arg2[%dma_start3A_58, %dma_start3A_59] : memref<10000x128xf32, #tpu.memory_space<hbm>> -> memref<10000x128xf32, #tpu.memory_space<hbm>>
      tpu.enqueue_indirect_dma source(%dma_start3A_60 : memref<10000x128xf32, #tpu.memory_space<hbm>>) target(%arg9 : memref<80x128xf32, #tpu.memory_space<vmem>>) offsets(%dma_start3A_57 : memref<80xi32, #tpu.memory_space<vmem>>) semaphore(%arg12 : memref<!tpu.dma_semaphore, #tpu.memory_space<semaphore_mem>>)
      %dma_wait3A_61 = arith.constant 0 : i32
      %dma_wait3A_62 = tpu.memref_slice %arg7[%dma_wait3A_61] : memref<10000xi32, #tpu.memory_space<vmem>> -> memref<80xi32, #tpu.memory_space<vmem>>
      %dma_wait3A_63 = arith.constant 0 : i32
      %dma_wait3A_64 = arith.constant 0 : i32
      %dma_wait3A_65 = tpu.memref_slice %arg2[%dma_wait3A_63, %dma_wait3A_64] : memref<10000x128xf32, #tpu.memory_space<hbm>> -> memref<10000x128xf32, #tpu.memory_space<hbm>>
      tpu.wait_indirect_dma semaphore(%arg13 : memref<!tpu.dma_semaphore, #tpu.memory_space<semaphore_mem>>) src(%dma_wait3A_65 : memref<10000x128xf32, #tpu.memory_space<hbm>>) dst(%arg10 : memref<80x128xf32, #tpu.memory_space<vmem>>)
    }
    %scan3A_19 = arith.constant 62 : i32
    %dma_wait3A = arith.constant 0 : i32
    %dma_wait3A_20 = tpu.memref_slice %arg7[%dma_wait3A] : memref<10000xi32, #tpu.memory_space<vmem>> -> memref<80xi32, #tpu.memory_space<vmem>>
    %dma_wait3A_21 = arith.constant 0 : i32
    %dma_wait3A_22 = arith.constant 0 : i32
    %dma_wait3A_23 = tpu.memref_slice %arg2[%dma_wait3A_21, %dma_wait3A_22] : memref<10000x128xf32, #tpu.memory_space<hbm>> -> memref<10000x128xf32, #tpu.memory_space<hbm>>
    tpu.wait_indirect_dma semaphore(%arg12 : memref<!tpu.dma_semaphore, #tpu.memory_space<semaphore_mem>>) src(%dma_wait3A_23 : memref<10000x128xf32, #tpu.memory_space<hbm>>) dst(%arg9 : memref<80x128xf32, #tpu.memory_space<vmem>>)
    %barrier3A_24 = arith.constant 0 : index
    tpu.barrier barrier_id(%barrier3A_24)
    %lt3A = arith.constant 15 : i32
    %lt3A_25 = arith.cmpi slt, %arg1, %lt3A : i32
    %convert_element_type3A_26 = arith.extui %lt3A_25 : i1 to i32
    %cond3A_27 = arith.constant 0 : i32
    %cond3A_28 = arith.cmpi ne, %convert_element_type3A_26, %cond3A_27 : i32
    scf.if %cond3A_28 {
      "tpu.region"() ({
        %run_scoped3A = tpu.sem_alloc : memref<!tpu.dma_semaphore, #tpu.memory_space<semaphore_mem>>
        %dma_start3A_34 = arith.constant 0 : i32
        %dma_start3A_35 = tpu.memref_slice %arg6[%arg0, %multiple_of3A, %dma_start3A_34] : memref<2x10000x128xf32, #tpu.memory_space<hbm>> -> memref<1x624x128xf32, #tpu.memory_space<hbm>>
        %dma_start3A_36 = tpu.memref_squeeze %dma_start3A_35 : memref<1x624x128xf32, #tpu.memory_space<hbm>> -> memref<624x128xf32, #tpu.memory_space<hbm>>
        %dma_start3A_37 = arith.constant 0 : i32
        %dma_start3A_38 = tpu.memref_slice %arg11[%multiple_of3A, %dma_start3A_37] : memref<10240x128xf32, #tpu.memory_space<vmem_shared>> -> memref<624x128xf32, #tpu.memory_space<vmem_shared>>
        tpu.enqueue_dma source(%dma_start3A_38 : memref<624x128xf32, #tpu.memory_space<vmem_shared>>) target(%dma_start3A_36 : memref<624x128xf32, #tpu.memory_space<hbm>>) target_semaphore(%run_scoped3A : memref<!tpu.dma_semaphore, #tpu.memory_space<semaphore_mem>>)
        %dma_wait3A_39 = arith.constant 0 : i32
        %dma_wait3A_40 = tpu.memref_slice %arg6[%arg0, %multiple_of3A, %dma_wait3A_39] : memref<2x10000x128xf32, #tpu.memory_space<hbm>> -> memref<1x624x128xf32, #tpu.memory_space<hbm>>
        %dma_wait3A_41 = tpu.memref_squeeze %dma_wait3A_40 : memref<1x624x128xf32, #tpu.memory_space<hbm>> -> memref<624x128xf32, #tpu.memory_space<hbm>>
        %dma_wait3A_42 = arith.constant 0 : i32
        %dma_wait3A_43 = tpu.memref_slice %arg11[%multiple_of3A, %dma_wait3A_42] : memref<10240x128xf32, #tpu.memory_space<vmem_shared>> -> memref<624x128xf32, #tpu.memory_space<vmem_shared>>
        tpu.wait_dma2 semaphore(%run_scoped3A : memref<!tpu.dma_semaphore, #tpu.memory_space<semaphore_mem>>) src(%dma_wait3A_43 : memref<624x128xf32, #tpu.memory_space<vmem_shared>>) dst(%dma_wait3A_41 : memref<624x128xf32, #tpu.memory_space<hbm>>)
        tpu.yield
      }) : () -> ()
    } else {
    }
    %eq3A_29 = arith.constant 15 : i32
    %eq3A_30 = arith.cmpi eq, %arg1, %eq3A_29 : i32
    %convert_element_type3A_31 = arith.extui %eq3A_30 : i1 to i32
    %cond3A_32 = arith.constant 0 : i32
    %cond3A_33 = arith.cmpi ne, %convert_element_type3A_31, %cond3A_32 : i32
    scf.if %cond3A_33 {
      "tpu.region"() ({
        %run_scoped3A = tpu.sem_alloc : memref<!tpu.dma_semaphore, #tpu.memory_space<semaphore_mem>>
        %dma_start3A_34 = arith.constant 9360 : i32
        %dma_start3A_35 = arith.constant 0 : i32
        %dma_start3A_36 = tpu.memref_slice %arg6[%arg0, %dma_start3A_34, %dma_start3A_35] : memref<2x10000x128xf32, #tpu.memory_space<hbm>> -> memref<1x640x128xf32, #tpu.memory_space<hbm>>
        %dma_start3A_37 = tpu.memref_squeeze %dma_start3A_36 : memref<1x640x128xf32, #tpu.memory_space<hbm>> -> memref<640x128xf32, #tpu.memory_space<hbm>>
        %dma_start3A_38 = arith.constant 9360 : i32
        %dma_start3A_39 = arith.constant 0 : i32
        %dma_start3A_40 = tpu.memref_slice %arg11[%dma_start3A_38, %dma_start3A_39] : memref<10240x128xf32, #tpu.memory_space<vmem_shared>> -> memref<640x128xf32, #tpu.memory_space<vmem_shared>>
        tpu.enqueue_dma source(%dma_start3A_40 : memref<640x128xf32, #tpu.memory_space<vmem_shared>>) target(%dma_start3A_37 : memref<640x128xf32, #tpu.memory_space<hbm>>) target_semaphore(%run_scoped3A : memref<!tpu.dma_semaphore, #tpu.memory_space<semaphore_mem>>)
        %dma_wait3A_41 = arith.constant 9360 : i32
        %dma_wait3A_42 = arith.constant 0 : i32
        %dma_wait3A_43 = tpu.memref_slice %arg6[%arg0, %dma_wait3A_41, %dma_wait3A_42] : memref<2x10000x128xf32, #tpu.memory_space<hbm>> -> memref<1x640x128xf32, #tpu.memory_space<hbm>>
        %dma_wait3A_44 = tpu.memref_squeeze %dma_wait3A_43 : memref<1x640x128xf32, #tpu.memory_space<hbm>> -> memref<640x128xf32, #tpu.memory_space<hbm>>
        %dma_wait3A_45 = arith.constant 9360 : i32
        %dma_wait3A_46 = arith.constant 0 : i32
        %dma_wait3A_47 = tpu.memref_slice %arg11[%dma_wait3A_45, %dma_wait3A_46] : memref<10240x128xf32, #tpu.memory_space<vmem_shared>> -> memref<640x128xf32, #tpu.memory_space<vmem_shared>>
        tpu.wait_dma2 semaphore(%run_scoped3A : memref<!tpu.dma_semaphore, #tpu.memory_space<semaphore_mem>>) src(%dma_wait3A_47 : memref<640x128xf32, #tpu.memory_space<vmem_shared>>) dst(%dma_wait3A_44 : memref<640x128xf32, #tpu.memory_space<hbm>>)
        tpu.yield
      }) : () -> ()
    } else {
    }
    return
  }
}

module attributes {stable_mosaic.version = 14 : i64} {
  func.func @_tc_body(%arg0: i32, %arg1: memref<1x2000x128xf32, #tpu.memory_space<vmem>>, %arg2: memref<1x2000x128xf32, #tpu.memory_space<vmem>>, %arg3: memref<128x128xf32, #tpu.memory_space<vmem>>, %arg4: memref<1x128xf32, #tpu.memory_space<vmem>>, %arg5: memref<128x128xf32, #tpu.memory_space<vmem>>, %arg6: memref<1x128xf32, #tpu.memory_space<vmem>>, %arg7: memref<2000x128xf32, #tpu.memory_space<vmem>>) attributes {dimension_semantics = [#tpu.dimension_semantics<arbitrary>], iteration_bounds = array<i64: 5>, scalar_prefetch = 0 : i64, scratch_operands = 0 : i64, tpu.core_type = #tpu.core_type<tc>, window_params = [{transform_indices = @transform_0, window_bounds = array<i64: 1, 2000, 128>}, {transform_indices = @transform_1, window_bounds = array<i64: 1, 2000, 128>}, {pipeline_mode = #tpu.pipeline_mode<synchronous>, transform_indices = @transform_2, window_bounds = array<i64: 128, 128>}, {pipeline_mode = #tpu.pipeline_mode<synchronous>, transform_indices = @transform_3, window_bounds = array<i64: 1, 128>}, {pipeline_mode = #tpu.pipeline_mode<synchronous>, transform_indices = @transform_4, window_bounds = array<i64: 128, 128>}, {pipeline_mode = #tpu.pipeline_mode<synchronous>, transform_indices = @transform_5, window_bounds = array<i64: 1, 128>}, {transform_indices = @transform_6, window_bounds = array<i64: 2000, 128>}]} {
    %get3A = arith.constant 0 : index
    %get3A_0 = arith.constant 0 : index
    %get3A_1 = arith.constant 0 : index
    %get3A_2 = vector.load %arg1[%get3A, %get3A_0, %get3A_1] : memref<1x2000x128xf32, #tpu.memory_space<vmem>>, vector<1x2000x128xf32>
    %get3A_3 = vector.shape_cast %get3A_2 : vector<1x2000x128xf32> to vector<2000x128xf32>
    %get3A_4 = arith.constant 0 : index
    %get3A_5 = arith.constant 0 : index
    %get3A_6 = arith.constant 0 : index
    %get3A_7 = vector.load %arg2[%get3A_4, %get3A_5, %get3A_6] : memref<1x2000x128xf32, #tpu.memory_space<vmem>>, vector<1x2000x128xf32>
    %get3A_8 = vector.shape_cast %get3A_7 : vector<1x2000x128xf32> to vector<2000x128xf32>
    %add3A = arith.addf %get3A_3, %get3A_8 : vector<2000x128xf32>
    %get3A_9 = arith.constant 0 : index
    %get3A_10 = arith.constant 0 : index
    %get3A_11 = vector.load %arg3[%get3A_9, %get3A_10] : memref<128x128xf32, #tpu.memory_space<vmem>>, vector<128x128xf32>
    %dot_general3A = arith.constant dense<0.000000e+00> : vector<2000x128xf32>
    %dot_general3A_12 = tpu.matmul %add3A, %get3A_11, %dot_general3A {dimension_numbers = #tpu.dot_dimension_numbers<[1], [0], [0], [1], [0, 0, 1, 1], [], []>, transpose_lhs_hint = false} : vector<2000x128xf32>, vector<128x128xf32>, vector<2000x128xf32> -> vector<2000x128xf32>
    %get3A_13 = arith.constant 0 : index
    %get3A_14 = arith.constant 0 : index
    %get3A_15 = vector.load %arg4[%get3A_13, %get3A_14] : memref<1x128xf32, #tpu.memory_space<vmem>>, vector<1x128xf32>
    %add3A_16 = vector.broadcast %get3A_15 : vector<1x128xf32> to vector<2000x128xf32>
    %add3A_17 = arith.addf %dot_general3A_12, %add3A_16 : vector<2000x128xf32>
    %max3A = arith.constant 0.000000e+00 : f32
    %max3A_18 = vector.broadcast %max3A : f32 to vector<2000x128xf32>
    %max3A_19 = arith.maximumf %add3A_17, %max3A_18 : vector<2000x128xf32>
    %get3A_20 = arith.constant 0 : index
    %get3A_21 = arith.constant 0 : index
    %get3A_22 = vector.load %arg5[%get3A_20, %get3A_21] : memref<128x128xf32, #tpu.memory_space<vmem>>, vector<128x128xf32>
    %dot_general3A_23 = arith.constant dense<0.000000e+00> : vector<2000x128xf32>
    %dot_general3A_24 = tpu.matmul %max3A_19, %get3A_22, %dot_general3A_23 {dimension_numbers = #tpu.dot_dimension_numbers<[1], [0], [0], [1], [0, 0, 1, 1], [], []>, transpose_lhs_hint = false} : vector<2000x128xf32>, vector<128x128xf32>, vector<2000x128xf32> -> vector<2000x128xf32>
    %get3A_25 = arith.constant 0 : index
    %get3A_26 = arith.constant 0 : index
    %get3A_27 = vector.load %arg6[%get3A_25, %get3A_26] : memref<1x128xf32, #tpu.memory_space<vmem>>, vector<1x128xf32>
    %add3A_28 = vector.broadcast %get3A_27 : vector<1x128xf32> to vector<2000x128xf32>
    %add3A_29 = arith.addf %dot_general3A_24, %add3A_28 : vector<2000x128xf32>
    %max3A_30 = arith.constant 0.000000e+00 : f32
    %max3A_31 = vector.broadcast %max3A_30 : f32 to vector<2000x128xf32>
    %max3A_32 = arith.maximumf %add3A_29, %max3A_31 : vector<2000x128xf32>
    %mul3A = arith.mulf %max3A_32, %max3A_32 : vector<2000x128xf32>
    %reduce_sum3A = arith.constant dense<0.000000e+00> : vector<2000xf32>
    %reduce_sum3A_33 = vector.multi_reduction <add>, %mul3A, %reduce_sum3A [1] : vector<2000x128xf32> to vector<2000xf32>
    %broadcast_in_dim3A = vector.shape_cast %reduce_sum3A_33 : vector<2000xf32> to vector<2000x1xf32>
    %sqrt3A = math.sqrt %broadcast_in_dim3A : vector<2000x1xf32>
    %max3A_34 = arith.constant 9.99999996E-13 : f32
    %max3A_35 = vector.broadcast %max3A_34 : f32 to vector<2000x1xf32>
    %max3A_36 = arith.maximumf %sqrt3A, %max3A_35 : vector<2000x1xf32>
    %div3A = vector.broadcast %max3A_36 : vector<2000x1xf32> to vector<2000x128xf32>
    %div3A_37 = arith.divf %max3A_32, %div3A : vector<2000x128xf32>
    %swap3A = arith.constant 0 : index
    %swap3A_38 = arith.constant 0 : index
    %swap3A_39 = vector.load %arg7[%swap3A, %swap3A_38] : memref<2000x128xf32, #tpu.memory_space<vmem>>, vector<2000x128xf32>
    tpu.vector_store %arg7[%swap3A, %swap3A_38], %div3A_37 {strides = array<i32>} : memref<2000x128xf32, #tpu.memory_space<vmem>>, vector<2000x128xf32>,
    return
  }
  func.func @transform_0(%arg0: i32) -> (i32, i32, i32) {
    %c0_i32 = arith.constant 0 : i32
    %c0_i32_0 = arith.constant 0 : i32
    %c0_i32_1 = arith.constant 0 : i32
    return %c0_i32, %arg0, %c0_i32_0 : i32, i32, i32
  }
  func.func @transform_1(%arg0: i32) -> (i32, i32, i32) {
    %c1_i32 = arith.constant 1 : i32
    %c0_i32 = arith.constant 0 : i32
    %c0_i32_0 = arith.constant 0 : i32
    return %c1_i32, %arg0, %c0_i32 : i32, i32, i32
  }
  func.func @transform_2(%arg0: i32) -> (i32, i32) {
    %c0_i32 = arith.constant 0 : i32
    %c0_i32_0 = arith.constant 0 : i32
    %c0_i32_1 = arith.constant 0 : i32
    return %c0_i32, %c0_i32_0 : i32, i32
  }
  func.func @transform_3(%arg0: i32) -> (i32, i32) {
    %c0_i32 = arith.constant 0 : i32
    %c0_i32_0 = arith.constant 0 : i32
    %c0_i32_1 = arith.constant 0 : i32
    return %c0_i32, %c0_i32_0 : i32, i32
  }
  func.func @transform_4(%arg0: i32) -> (i32, i32) {
    %c0_i32 = arith.constant 0 : i32
    %c0_i32_0 = arith.constant 0 : i32
    %c0_i32_1 = arith.constant 0 : i32
    return %c0_i32, %c0_i32_0 : i32, i32
  }
  func.func @transform_5(%arg0: i32) -> (i32, i32) {
    %c0_i32 = arith.constant 0 : i32
    %c0_i32_0 = arith.constant 0 : i32
    %c0_i32_1 = arith.constant 0 : i32
    return %c0_i32, %c0_i32_0 : i32, i32
  }
  func.func @transform_6(%arg0: i32) -> (i32, i32) {
    %c0_i32 = arith.constant 0 : i32
    %c0_i32_0 = arith.constant 0 : i32
    return %arg0, %c0_i32 : i32, i32
  }
}

</mosaic_0001>

<sc_bundles>
// kernel: kernel.4.cloned.1.call-start
scs
__scs_entry_jumppad:
0x0: {  	(pc) =	sbr.rel $0x88, $3  }
0x1: {  	(tag) =	ssettag $0x0;
	lr =	simm.s32 $0x1  }
0x2: {  	[smem:$0x3F9B] =	sst lr;
	_ =	strace $0xD0000000  }
0x3: {  	_ = 	snop  }
0x4: {  	_ = 	snop  }
0x5: {  	_ = 	snop  }
0x6: {  	_ = 	snop  }
0x7: {  	_ = 	snop  }
__scs_overlays_trampoline_lowered:
0x8: {  	[smem:$0x3FAA] =	sst s0  }
0x9: {  	[smem:$0x3FAB] =	sst s1  }
0xa: {  	[smem:$0x3FAC] =	sst s2  }
0xb: {  	[smem:$0x3FAD] =	sst s3  }
0xc: {  	[smem:$0x3FAE] =	sst s4  }
0xd: {  	[smem:$0x3FAF] =	sst s5  }
0xe: {  	[smem:$0x3FB0] =	sst s6  }
0xf: {  	[smem:$0x3FB1] =	sst s7  }
0x10: {  	[smem:$0x3FB2] =	sst s8  }
0x11: {  	[smem:$0x3FB3] =	sst s9;
	s0 =	simm.s32 @!p0 $0x0  }
0x12: {  	s1 =	sld [smem:$0x3F99];
	s0 =	simm.s32 @p0 $0x1  }
0x13: {  	[smem:$0x3FB4] =	sst s0;
	s0 =	simm.s32 @!p1 $0x0  }
0x14: {  	s2 =	sld [smem:$0x3F98];
	s0 =	simm.s32 @p1 $0x1  }
0x15: {  	[smem:$0x3FB5] =	sst s0;
	s0 =	simm.s32 @!p2 $0x0  }
0x16: {  	s3 =	sld [smem:$0x3FDB];
	s0 =	simm.s32 @p2 $0x1  }
0x17: {  	s4 =	simm.s32 $0x1BF5;
	[smem:$0x3FB7] =	sst s0  }
0x18: {  	s0 =	sld [smem:$0x3F9A];
	_ =	swait.ge [sflag:s4], $0x0  }
0x19: {  	s7 =	sld [smem:$0x3F9B]  }
0x1a: {  	s8 =	sadd.s32 $0xFFFFE003, lr  }
0x1b: {  	s9 =	sadd.s32 $0xFFFFFEF7, lr;
	s5 =	simm.s32 $0xFFFFFFFF;
	p2 =	slt.u32 s8, $0xFFFFF086  }
0x1c: {  	p1 =	slt.u32 s9, $0xF7A;
	s5 =	simm.s32 @!p2 $0x0  }
0x1d: {  	s5 =	simm.s32 @p1 $0x1;
	p0 =	seq.s32 s7, s2  }
0x1e: {  	s7 =	smul.u32 @!p0 $0xF7A, s2;
	p2 =	seq.s32 @!p0 s5, $0x0  }
0x1f: {  	s9 =	smul.u32 $0xF7A, s1;
	s8 =	simm.s32 @!p0 $0x1BF5;
	p2 =	por !p2, p0  }
0x20: {  	[sflag:s8] =	ssyncset.s32 @!p0 $0xFFFFF086;
	s6 =	sadd.s32 @!p0 s3, s7;
	s7 =	simm.s32 @!p0 $0x108  }
0x21: {  	s3 =	sadd.s32 s3, s9;
	s6 =	sadd.s32 @!p0 $0x88, s6;
	s7 =	simm.s32 @p2 $0x1082  }
0x22: {  	[simem:s7], [sflag:s8] =	dma.local @!p0 [hbm:s6], $0xF7A  }
0x23: {  	s9 =	sor.u32 $0xD0000000, s2;
	s6 =	simm.s32 $0x108;
	_ =	swait.ge @!p0 [sflag:s8], $0x0  }
0x24: {  	s3 =	sadd.s32 $0x88, s3;
	s6 =	simm.s32 @!p1 $0x1082;
	[sflag:s4] =	ssyncset.s32 $0xFFFFF086  }
0x25: {  	[simem:s6], [sflag:s4] =	dma.local [hbm:s3], $0xF7A  }
0x26: {  	[smem:$0x3F9B] =	sst s1;
	(tag) =	ssettag s2;
	_ =	strace s9  }
0x27: {  	s1 =	sld [smem:$0x3FAB]  }
0x28: {  	s2 =	sld [smem:$0x3FAC]  }
0x29: {  	s4 =	sld [smem:$0x3FAE]  }
0x2a: {  	p0 =	seq.s32 s5, $0x0;
	s5 =	sld [smem:$0x3FAF]  }
0x2b: {  	s6 =	sld [smem:$0x3FB0]  }
0x2c: {  	s7 =	sld [smem:$0x3FB1]  }
0x2d: {  	s3 =	simm.s32 $0x108;
	s8 =	sld [smem:$0x3FB2]  }
0x2e: {  	s3 =	simm.s32 @!p0 $0x1082;
	s9 =	sld [smem:$0x3FB3]  }
0x2f: {  	lr =	sadd.s32 s0, s3;
	s0 =	sld [smem:$0x3FAA]  }
0x30: {  	s3 =	sld [smem:$0x3FAD]  }
0x31: {  	[smem:$0x3FB6] =	sst s10  }
0x32: {  	s10 =	sld [smem:$0x3FB4];
	_ =	sdelay $0x3  }
0x33: {  	p0 =	seq.s32 s10, $0x1;
	s10 =	sld [smem:$0x3FB6];
	_ =	sdelay $0x3  }
0x34: {  	[smem:$0x3FB6] =	sst s10  }
0x35: {  	s10 =	sld [smem:$0x3FB5];
	_ =	sdelay $0x3  }
0x36: {  	p1 =	seq.s32 s10, $0x1;
	s10 =	sld [smem:$0x3FB6];
	_ =	sdelay $0x3  }
0x37: {  	[smem:$0x3FB6] =	sst s10  }
0x38: {  	s10 =	sld [smem:$0x3FB7]  }
0x39: {  	_ = 	snop;
	(pc) =	sbr.ind lr, $3  }
0x3a: {  	_ = 	snop  }
0x3b: {  	_ = 	snop  }
0x3c: {  	p2 =	seq.s32 s10, $0x1;
	s10 =	sld [smem:$0x3FB6]  }
0x3d: {  	_ =	shalt  }
0x3e: {  	_ =	shalt  }
0x3f: {  	_ =	shalt  }
0x40: {  	_ =	shalt  }
0x41: {  	_ =	shalt  }
0x42: {  	_ =	shalt  }
0x43: {  	_ =	shalt  }
0x44: {  	_ =	shalt  }
0x45: {  	_ =	shalt  }
0x46: {  	_ =	shalt  }
0x47: {  	_ =	shalt  }
0x48: {  	_ =	shalt  }
0x49: {  	_ =	shalt  }
0x4a: {  	_ =	shalt  }
0x4b: {  	_ =	shalt  }
0x4c: {  	_ =	shalt  }
0x4d: {  	_ =	shalt  }
0x4e: {  	_ =	shalt  }
0x4f: {  	_ =	shalt  }
0x50: {  	_ =	shalt  }
0x51: {  	_ =	shalt  }
0x52: {  	_ =	shalt  }
0x53: {  	_ =	shalt  }
0x54: {  	_ =	shalt  }
0x55: {  	_ =	shalt  }
0x56: {  	_ =	shalt  }
0x57: {  	_ =	shalt  }
0x58: {  	_ =	shalt  }
0x59: {  	_ =	shalt  }
0x5a: {  	_ =	shalt  }
0x5b: {  	_ =	shalt  }
0x5c: {  	_ =	shalt  }
0x5d: {  	_ =	shalt  }
0x5e: {  	_ =	shalt  }
0x5f: {  	_ =	shalt  }
0x60: {  	_ =	shalt  }
0x61: {  	_ =	shalt  }
0x62: {  	_ =	shalt  }
0x63: {  	_ =	shalt  }
0x64: {  	_ =	shalt  }
0x65: {  	_ =	shalt  }
0x66: {  	_ =	shalt  }
0x67: {  	_ =	shalt  }
0x68: {  	_ =	shalt  }
0x69: {  	_ =	shalt  }
0x6a: {  	_ =	shalt  }
0x6b: {  	_ =	shalt  }
0x6c: {  	_ =	shalt  }
0x6d: {  	_ =	shalt  }
0x6e: {  	_ =	shalt  }
0x6f: {  	_ =	shalt  }
0x70: {  	_ =	shalt  }
0x71: {  	_ =	shalt  }
0x72: {  	_ =	shalt  }
0x73: {  	_ =	shalt  }
0x74: {  	_ =	shalt  }
0x75: {  	_ =	shalt  }
0x76: {  	_ =	shalt  }
0x77: {  	_ =	shalt  }
0x78: {  	_ =	shalt  }
0x79: {  	_ =	shalt  }
0x7a: {  	_ =	shalt  }
0x7b: {  	_ =	shalt  }
0x7c: {  	_ =	shalt  }
0x7d: {  	_ =	shalt  }
0x7e: {  	_ =	shalt  }
0x7f: {  	_ =	shalt  }
0x80: {  	_ =	shalt  }
0x81: {  	_ =	shalt  }
0x82: {  	_ =	shalt  }
0x83: {  	_ =	shalt  }
0x84: {  	_ =	shalt  }
0x85: {  	_ =	shalt  }
0x86: {  	_ =	shalt  }
0x87: {  	_ =	shalt  }
.Lfunc_end0:
.L_simem_size_0:
called_computation_lowered:
.L_overlay_start_0:
0x88: {  	s2 =	sld [smem:$0x3FD9]  }
0x89: {  	s3 =	sld [smem:$0x3FFE];
	_ =	sdelay $0x1  }
0x8a: {  	s1 =	srdreg.scid  }
0x8b: {  	s0 =	sand.u32 $0x1, s1  }
0x8c: {  	s17 =	sshll.u32 s0, $0xA;
	s2 =	sadd.s32 s3, s2  }
0x8d: {  	s2 =	sadd.s32 s2, s17  }
0x8e: {  	[smem:$0x3FC2] =	sst s2  }
0x8f: {  	_ = 	snop  }
0x90: {  	s2 =	sld [smem:$0x3FC9]  }
0x91: {  	s18 =	sld [smem:$0x3FD0];
	(tm) =	ssettm $0x1  }
0x92: {  	s4 =	sld [smem:$0x3FFB];
	_ =	sdelay $0x3  }
0x93: {  	_ =	strace s4  }
0x94: {  	s4 =	sld [smem:$0x3FFC];
	_ =	sdelay $0x3  }
0x95: {  	_ =	strace s4  }
0x96: {  	s4 =	sld [smem:$0x3FFD];
	_ =	sdelay $0x3  }
0x97: {  	_ =	strace s4  }
0x98: {  	_ =	strace $0x8FFFFFFF  }
0x99: {  	s19 =	sld [smem:$0x3FDB];
	_ =	sdelay $0x1  }
0x9a: {  	s5 =	simm.s32 $_scs_section_size  }
0x9b: {  	s6 =	simm.s32 $_size__tile_overlayer_lowered;
	s7 =	simm.s32 $_tile_overlayer_lowered  }
0x9c: {  	s22 =	simm.s32 $0x1BFF;
	s21 =	sshll.u32 s7, $0x1;
	s4 =	sadd.s32 s5, s19  }
0x9d: {  	s8 =	simm.s32 $0x0;
	s20 =	sshll.u32 s6, $0x1;
	s6 =	sadd.s32 s21, s4  }
0x9e: {  	[timem:s8], [sflag:s22] =	dma.local [hbm:s6], s20  }
0x9f: {  	_ =	swait.ge [sflag:s22], s20  }
0xa0: {  	s5 =	ssub.s32 $0x0, s20;
	[sflag:s22] =	ssyncset.done $0x0  }
0xa1: {  	[sflag:s22] =	ssyncadd.s32 s5;
	_ =	sdelay $0x1  }
0xa2: {  	s23 =	simm.s32 $0x1B8B  }
0xa3: {  	_ =	swait.ge [sflag:s23], $0x1  }
0xa4: {  	[sflag:s23] =	ssyncset.done $0x0  }
0xa5: {  	s25 =	simm.s32 $0x1B8E;
	s24 =	sld [smem:$0x3FFE];
	[sflag:s23] =	ssyncadd.s32 $0xFFFFFFFF  }
0xa6: {  	s26 =	simm.s32 $execute0_lowered;
	[smem:$0x3FD2] =	sst s25  }
0xa7: {  	s6 =	sshll.u32 s26, $0x1;
	_ =	strace $0x80000046;
	[dreg:$0x1] =	wrdreg $0xFFFFFFFF  }
0xa8: {  	s28 =	simm.s32 $_size_execute0_lowered;
	s4 =	sadd.s32 s4, s6;
	[dreg:$0x0] =	wrdreg $0x0  }
0xa9: {  	s6 =	sshll.u32 s28, $0x1;
	[dreg:$0x2] =	wrdreg s4  }
0xaa: {  	[dreg:$0x3] =	wrdreg s6  }
0xab: {  	[dreg:$0x4] =	wrdreg $0xC0  }
0xac: {  	_ =	task [dreg:s8], $0x5FFFF  }
0xad: {  	[dreg:$0x1] =	wrdreg $0xFFFFFFFF  }
0xae: {  	[dreg:$0x0] =	wrdreg $0x60  }
0xaf: {  	[dreg:$0x2] =	wrdreg s2  }
0xb0: {  	[dreg:$0x3] =	wrdreg s24  }
0xb1: {  	[dreg:$0x4] =	wrdreg s18  }
0xb2: {  	[dreg:$0x5] =	wrdreg $0xB7800  }
0xb3: {  	[dreg:$0x6] =	wrdreg $0x9  }
0xb4: {  	_ =	task.clear_ibuf [dreg:s8], $0x7FFFF;
	_ =	strace $0x90000046  }
0xb5: {  	s29 =	simm.s32 $0x9;
	_ =	strace $0x80000048  }
0xb6: {  	_ =	swait.ge [sflag:s29], $0x1  }
0xb7: {  	[sflag:s29] =	ssyncadd.s32 $0xFFFFFFFF  }
0xb8: {  	_ =	strace $0x90000048  }
0xb9: {  	_ =	sfence  }
0xba: {  	s30 =	sld [smem:$0x0];
	_ =	sdelay $0x2  }
0xbb: {  	s31 =	sshll.u32 s1, $0xD;
	s1 =	sshrl.u32 s1, $0x2  }
0xbc: {  	s3 =	sand.u32 $0x4000, s31;
	s1 =	sadd.s32 s1, s30  }
0xbd: {  	s0 =	sor.u32 s3, s0;
	s1 =	sshll.u32 s1, $0x11  }
0xbe: {  	s0 =	sor.u32 s1, s0  }
0xbf: {  	s0 =	sadd.s32 $0x8F2B, s0  }
0xc0: {  	[sflag:s0] =	ssyncadd.remote.s32 $0x1  }
0xc1: {  	_ =	sfence.sel $0xFFFF  }
0xc2: {  	[dreg:$0x0] =	wrdreg $0xFFFFFFFF;
	(pc) =	sbr.abs _section_cstart, $3  }
0xc3: {  	[dreg:$0x1] =	wrdreg $0xFFFFFFFF  }
0xc4: {  	_ =	task.clear_ibuf [dreg:s8], $0x2FFFF;
	_ =	strace $0x9FFFFFFF  }
0xc5: {  	(tm) =	ssettm $0x7FFFFFFF  }
tec
execute0_lowered:
.L_overlay_start_1:
0x0: {  	(tag) =	ssettag $0x1  }
0x1: {  	s1 =	rddreg [dreg:$0x0]  }
0x2: {  	s5 =	rddreg [dreg:$0x1]  }
0x3: {  	s2 =	srdreg.scid;
	s11 =	rddreg [dreg:$0x2]  }
0x4: {  	s0 =	stileid.u32;
	s9 =	rddreg [dreg:$0x3];
	s3 =	simm.s32 $0x0  }
0x5: {  	s28 =	simm.s32 $0x2;
	s29 =	simm.s32 $0x0;
	s13 =	smul.u32 $0x4E000, s0  }
0x6: {  	s7 =	sand.u32 $0x1, s2;
	s18 =	sshll.u32 s0, $0x1;
	s22 =	smul.u32 $0x2700, s0  }
0x7: {  	s19 =	sshrl.u32 s0, $0x2;
	[smem:$0x7FF] =	sst s3;
	s24 =	smul.u32 $0x50000, s0  }
0x8: {  	s14 =	sadd.s32 $0xCC00, s5;
	s17 =	smul.u32 $0x13800, s0;
	p3 =	seq.s32 s0, $0xF  }
0x9: {  	s10 =	sor.u32 s7, s18;
	s4 =	smul.u32 $0x13C00, s19;
	_ =	strace $0x80000047  }
0xa: {  	s21 =	ssub.s32 $0x2, s7;
	p0 =	seq.s32 s7, $0x1;
	s25 =	smul.u32 $0x138800, s7  }
0xb: {  	s7 =	sadd.s32 $0x124800, s9;
	s20 =	sshll.u32 s10, $0x7;
	s8 =	sshrl.u32 s21, $0x1  }
0xc: {  	s23 =	sshrl.u32 s13, $0x2;
	s16 =	sshrl.u32 s24, $0x2;
	s10 =	sshll.u32 s10, $0xB  }
0xd: {  	p2 =	seq.s32 @!p0 s0, $0xF;
	s24 =	simm.s32 $0x6780;
	s6 =	sand.u32 $0x380, s20  }
0xe: {  	s15 =	ssub.s32 s21, s8;
	s8 =	sadd.s32 $0x24900, s1;
	s16 =	sadd.s32 s16, s9  }
0xf: {  	s26 =	sadd.s32 s17, s25;
	s13 =	sshrl.u32 s25, $0x3;
	s10 =	sadd.s32 s11, s10  }
0x10: {  	p1 =	por p2, p0;
	p2 =	por !p2, p0;
	s21 =	simm.s32 $0x3  }
0x11: {  	s25 =	simm.s32 $0x8F80;
	s20 =	stileid.u32;
	s4 =	sor.u32 s4, s6  }
0x12: {  	s6 =	sadd.s32 s1, s22;
	s30 =	sshrl.u32 s26, $0x3;
	s31 =	sadd.s32 s14, s13  }
0x13: {  	s13 =	smax.u32 s15, $0x1;
	s17 =	sshll.u32 @!p1 s0, $0x6;
	s15 =	sshrl.u32 @p0 s16, $0x3  }
0x14: {  	s16 =	sshrl.u32 @!p2 s7, $0x3;
	s22 =	simm.s32 $0x2780;
	s26 =	simm.s32 $0x1  }
0x15: {  	s4 =	sshrl.u32 s4, $0x3;
	s11 =	sadd.s32 s14, s30;
	s14 =	sshll.u32 @p0 s0, $0x6  }
0x16: {  	s17 =	sor.u32 @!p1 $0x1C03, s17;
	s12 =	sadd.s32 s4, s5;
	s4 =	sadd.s32 $0xA400, s5  }
0x17: {  	s5 =	sadd.s32 s23, s9;
	s14 =	sor.u32 @p0 $0x1C03, s14;
	s23 =	simm.s32 $0x50  }
0x18: {  	s9 =	sadd.s32 $0x600, s12;
	s12 =	sadd.s32 $0x24900, s31;
	s18 =	sshrl.u32 @!p1 s5, $0x3  }
.LBB2_1:
0x19: {  	[spmem:s15], [sflag:s14] =	dma.local @p0 [hbm:s4], $0x2800  }
0x1a: {  	s30 =	simm.s32 @p0 $0x3  }
0x1b: {  	_ =	swait.ge @p0 [sflag:s30], $0x2800  }
0x1c: {  	[sflag:s30] =	ssyncset.done @p0 $0x0  }
0x1d: {  	[sflag:s30] =	ssyncadd.s32 @p0 $0xFFFFD800;
	s30 =	simm.s32 @!p2 $0x1FC3  }
0x1e: {  	[spmem:s16], [sflag:s30] =	dma.local @!p2 [hbm:s8], $0x2800  }
0x1f: {  	s30 =	simm.s32 @!p2 $0x3  }
0x20: {  	_ =	swait.ge @!p2 [sflag:s30], $0x2800  }
0x21: {  	[sflag:s30] =	ssyncset.done @!p2 $0x0  }
0x22: {  	[sflag:s30] =	ssyncadd.s32 @!p2 $0xFFFFD800;
	s30 =	simm.s32 @!p1 $0x3  }
0x23: {  	[spmem:s18], [sflag:s17] =	dma.local @!p1 [hbm:s6], $0x2700  }
0x24: {  	_ =	swait.ge @!p1 [sflag:s30], $0x2700  }
0x25: {  	[sflag:s30] =	ssyncset.done @!p1 $0x0  }
0x26: {  	s0 =	simm.s32 $0x80;
	s2 =	simm.s32 $0x400;
	[sflag:s30] =	ssyncadd.s32 @!p1 $0xFFFFD900  }
0x27: {  	[tilespmem:s3], [sflag:$0x3] =	stream.strided.gather [hbm4b:s9+s0], $0x2780, s2, s0, $0x38;
	[tilespmem:$0x1F780] =	vst v63  }
0x28: {  	_ =	swait.ge [sflag:s21], $0x2780  }
0x29: {  	[sflag:s21] =	ssyncset.done $0x0  }
0x2a: {  	[sflag:s21] =	ssyncadd.s32 $0xFFFFD880  }
0x2b: {  	[tilespmem:s22], [sflag:$0x3] =	stream.linear.gather [hbm4b:s10+s3], $0x3E80, $0x38;
	[tilespmem:$0x1F780] =	vst v63  }
0x2c: {  	_ =	swait.ge [sflag:s21], $0x3E80  }
0x2d: {  	[sflag:s21] =	ssyncset.done $0x0  }
0x2e: {  	[sflag:s21] =	ssyncadd.s32 $0xFFFFC180  }
0x2f: {  	[bflag:$0x0] =	sbarrier.arrive $0xFFFF  }
0x30: {  	[tilespmem:s24], [sflag:$0x1] =	stream.indirect.gather [hbm4b:s1+s23], $0x80, s3, s23, $0xb8;
	[tilespmem:$0x1F780] =	vst v63  }
0x31: {  	s30 =	simm.s32 $0x50  }
0x32: {  	[tilespmem:s25], [sflag:$0x2] =	stream.indirect.gather [hbm4b:s1+s23], $0x80, s30, s23, $0xb8;
	[tilespmem:$0x1F780] =	vst v63  }
0x33: {  	_ =	swait.ge [sflag:s26], $0x2800  }
0x34: {  	[sflag:s26] =	ssyncset.done $0x0  }
0x35: {  	s30 =	simm.s32 $0xA0;
	[sflag:s26] =	ssyncadd.s32 $0xFFFFD800  }
0x36: {  	[tilespmem:s24], [sflag:$0x1] =	stream.indirect.gather [hbm4b:s1+s23], $0x80, s30, s23, $0xb8;
	[tilespmem:$0x1F780] =	vst v63  }
0x37: {  	_ =	swait.ge [sflag:s28], $0x2800  }
0x38: {  	s31 =	simm.s32 $0xFFFF6A00;
	s30 =	simm.s32 $0xFFFFD9E0;
	[sflag:s28] =	ssyncset.done $0x0  }
.LBB2_2:
0x39: {  	s2 =	sadd.s32 $0x2710, s30  }
0x3a: {  	[sflag:s28] =	ssyncadd.s32 $0xFFFFD800;
	s0 =	smov.u32 s31;
	s19 =	sadd.s32 $0x280, s31  }
0x3b: {  	[tilespmem:s25], [sflag:$0x2] =	stream.indirect.gather [hbm4b:s1+s23], $0x80, s2, s23, $0xb8;
	[tilespmem:$0x1F780] =	vst v63  }
0x3c: {  	p4 =	sne.s32 s31, $0xFFFFFD80;
	_ =	swait.ge [sflag:s26], $0x2800  }
.Ltmp0:
0x3d: {  	[sflag:s26] =	ssyncset.done $0x0;
	(pc) =	sbr.rel @p4 .LBB2_2-.Ltmp0, $4  }
0x3e: {  	s2 =	sadd.s32 $0x2760, s30;
	[sflag:s26] =	ssyncadd.s32 $0xFFFFD800  }
0x3f: {  	[tilespmem:s24], [sflag:$0x1] =	stream.indirect.gather [hbm4b:s1+s23], $0x80, s2, s23, $0xb8;
	[tilespmem:$0x1F780] =	vst v63  }
0x40: {  	_ =	swait.ge [sflag:s28], $0x2800  }
0x41: {  	s30 =	sshra.s32 s0, $0x2;
	s31 =	smov.u32 s19;
	[sflag:s28] =	ssyncset.done $0x0  }
0x42: {  	s0 =	sadd.s32 $0x2710, s30;
	[sflag:s28] =	ssyncadd.s32 $0xFFFFD800  }
0x43: {  	[tilespmem:s25], [sflag:$0x2] =	stream.indirect.gather [hbm4b:s1+s23], $0x80, s0, s23, $0xb8;
	[tilespmem:$0x1F780] =	vst v63  }
0x44: {  	_ =	swait.ge [sflag:s26], $0x2800  }
0x45: {  	[sflag:s26] =	ssyncset.done $0x0  }
0x46: {  	s31 =	sadd.s32 $0x2760, s30;
	[sflag:s26] =	ssyncadd.s32 $0xFFFFD800  }
0x47: {  	[tilespmem:s24], [sflag:$0x1] =	stream.indirect.gather [hbm4b:s1+s23], $0x80, s31, s23, $0xb8;
	[tilespmem:$0x1F780] =	vst v63  }
0x48: {  	_ =	swait.ge [sflag:s28], $0x2800  }
0x49: {  	[sflag:s28] =	ssyncset.done $0x0  }
0x4a: {  	[sflag:s28] =	ssyncadd.s32 $0xFFFFD800  }
0x4b: {  	_ =	swait.ge [sflag:s26], $0x2800  }
0x4c: {  	[sflag:s26] =	ssyncset.done $0x0  }
0x4d: {  	[sflag:s26] =	ssyncadd.s32 $0xFFFFD800  }
0x4e: {  	s2 =	simm.s32 @p3 $0x1FC3;
	s0 =	sshrl.u32 @p3 s7, $0x3;
	[bflag:$0x0] =	sbarrier.arrive $0xFFFF  }
0x4f: {  	[hbm:s12], [sflag:s2] =	dma.local @p3 [spmem:s0], $0x2800  }
0x50: {  	s0 =	simm.s32 @p3 $0x3  }
0x51: {  	s29 =	sadd.s32 $0x1, s29;
	_ =	swait.ge @p3 [sflag:s0], $0x2800  }
0x52: {  	p4 =	sne.s32 s29, s13;
	s2 =	sshll.u32 @!p3 s20, $0x6;
	[sflag:s0] =	ssyncset.done @p3 $0x0  }
0x53: {  	[sflag:s0] =	ssyncadd.s32 @p3 $0xFFFFD800;
	s0 =	sor.u32 @!p3 $0x1C03, s2;
	s2 =	sshrl.u32 @!p3 s5, $0x3  }
0x54: {  	[hbm:s11], [sflag:s0] =	dma.local @!p3 [spmem:s2], $0x2700  }
.Ltmp1:
0x55: {  	_ = 	snop;
	(pc) =	sbr.rel @p4 .LBB2_1-.Ltmp1, $4  }
0x56: {  	s0 =	simm.s32 @!p3 $0x3  }
0x57: {  	_ =	swait.ge @!p3 [sflag:s0], $0x2700  }
0x58: {  	[sflag:s0] =	ssyncset.done @!p3 $0x0  }
0x59: {  	[sflag:s0] =	ssyncadd.s32 @!p3 $0xFFFFD900  }
0x5a: {  	_ =	sfence.sel $0x180000  }
0x5b: {  	[bflag:$0x0] =	sbarrier.arrive $0xFFFF  }
0x5c: {  	_ =	strace $0x90000047  }
0x5d: {  	[bflag:$0x2] =	sbarrier.arrive $0xFFFF  }
0x5e: {  	p0 =	sne.s32 s20, $0x0;
	s0 =	rddreg [dreg:$0x4]  }
0x5f: {  	s0 =	sadd.s32 @!p0 $0x100000, s0  }
0x60: {  	[sflag:s0] =	ssyncadd.tile.s32 @!p0 $0x1;
	_ =	shalt  }
.Lfunc_end2:
_tile_overlayer_lowered:
.L_overlay_start_2:
0x61: {  	(tag) =	ssettag $0x2  }
0x62: {  	s0 =	rddreg [dreg:$0x0];
	s2 =	stileid.u32  }
0x63: {  	s1 =	rddreg [dreg:$0x1];
	p0 =	sne.s32 s2, $0x0  }
0x64: {  	s3 =	rddreg [dreg:$0x2];
	[bflag:$0x3] =	sbarrier.arrive $0xFFFF;
	s2 =	simm.s32 @!p0 $0x1C03  }
0x65: {  	[timem:s3], [sflag:s2] =	dma.local @!p0 [hbm:s0], s1  }
0x66: {  	s0 =	simm.s32 @!p0 $0x3  }
0x67: {  	_ =	swait.ge @!p0 [sflag:s0], s1  }
0x68: {  	s1 =	ssub.s32 @!p0 $0x0, s1;
	[sflag:s0] =	ssyncset.done @!p0 $0x0  }
0x69: {  	[sflag:s0] =	ssyncadd.s32 @!p0 s1  }
0x6a: {  	[bflag:$0x3] =	sbarrier.arrive $0xFFFF  }
0x6b: {  	_ =	shalt  }

</sc_bundles>
